<compile_context>
chip_gen: v7x
topology: tpu7x:2x2x1
jax: 0.10.2.dev20260603
libtpu: 0.0.44.dev20260713+nightly
codegen_flags: <defaults>
</compile_context>

<pallas_src>
import functools

import jax
import jax.numpy as jnp
from jax import lax
from jax.experimental import pallas as pl
from jax.experimental.pallas import tpu as pltpu
from jax.experimental.pallas import tpu_sc as plsc

_BN = 12800
_LANES = 16


@functools.lru_cache(maxsize=None)
def _make_sc_gather(n_pad: int, n_tbl: int):
    info = plsc.get_sparse_core_info()
    nc = 1
    nw = nc * info.num_subcores
    chunk = n_pad // nw
    assert n_pad % nw == 0 and chunk % 8 == 0 and chunk % _LANES == 0

    mesh = plsc.VectorSubcoreMesh(
        core_axis_name="c", subcore_axis_name="s", num_cores=nc)

    @functools.partial(
        pl.kernel,
        out_type=jax.ShapeDtypeStruct((n_pad,), jnp.int32),
        mesh=mesh,
        compiler_params=pltpu.CompilerParams(needs_layout_passes=False),
        scratch_types=[
            pltpu.VMEM((n_tbl,), jnp.int32),
            pltpu.VMEM((chunk,), jnp.int32),
            pltpu.VMEM((chunk,), jnp.int32),
        ],
    )
    def sc_gather(idx_hbm, tbl_hbm, out_hbm, tbl_v, idx_v, val_v):
        wid = lax.axis_index("s") * nc + lax.axis_index("c")
        base = wid * chunk
        pltpu.sync_copy(tbl_hbm, tbl_v)
        pltpu.sync_copy(idx_hbm.at[pl.ds(base, chunk)], idx_v)

        def body(i, carry):
            sl = pl.ds(i * _LANES, _LANES)
            val_v[sl] = plsc.load_gather(tbl_v, [idx_v[sl]])
            return carry

        lax.fori_loop(0, chunk // _LANES, body, 0)
        pltpu.sync_copy(val_v, out_hbm.at[pl.ds(base, chunk)])

    return sc_gather


def _tc_body(ads_ref, x_ref, w2_ref, b_ref, out_ref):
    xb = x_ref[...]
    w2 = w2_ref[...]
    yt = lax.dot_general(
        w2, xb, (((1,), (1,)), ((), ())),
        preferred_element_type=jnp.float32,
    )
    ads = ads_ref[0]
    eid = lax.broadcasted_iota(jnp.int32, yt.shape, 0)
    out_ref[...] = jnp.where(eid == ads, yt + b_ref[...], 0.0)


def kernel(x, batch, dataset_ids, W, b):
    n, d = x.shape
    e, _, o = W.shape
    batch = batch.astype(jnp.int32)
    dataset_ids = dataset_ids.astype(jnp.int32)

    nb = pl.cdiv(n, _BN)
    n_pad = nb * _BN
    batch_p = jnp.pad(batch, (0, n_pad - n))
    ads = _make_sc_gather(n_pad, dataset_ids.shape[0])(batch_p, dataset_ids)
    ads3 = ads.reshape(nb, 1, _BN)

    w2 = W[:, :, 0]
    out = pl.pallas_call(
        _tc_body,
        grid=(nb,),
        in_specs=[
            pl.BlockSpec((1, 1, _BN), lambda i: (i, 0, 0)),
            pl.BlockSpec((_BN, d), lambda i: (i, 0)),
            pl.BlockSpec((e, d), lambda i: (0, 0)),
            pl.BlockSpec((e, o), lambda i: (0, 0)),
        ],
        out_specs=pl.BlockSpec((e, _BN), lambda i: (0, i)),
        out_shape=jax.ShapeDtypeStruct((e, n), jnp.float32),
    )(ads3, x, w2, b)
    return out[:, :, None]

# --- scband reference (transcript-rebuilt; emitter-appended) ---
"""Pipeline reference for scband-dataset-specific-mo-ewrapper-48275432407219 (READ-ONLY COPY).

The authoritative reference and input builder live on the scoring server;
editing this copy changes nothing except your own understanding.
"""

import jax, jax.numpy as jnp
import numpy as np

N = 100000   # total atoms (n_nodes)
B = 1024     # systems (graphs) in batch
E = 8        # num experts = num dataset names
D = 128      # d_model (node embedding dim)
O = 1        # scalar head output dim (per-atom energy contribution)


def setup_inputs(seed: int = 0) -> dict:
    key = jax.random.key(seed)
    k1, k2, k3, k4 = jax.random.split(key, 4)
    x = jax.random.normal(k1, (N, D), dtype=jnp.float32)
    batch = jnp.sort(jax.random.randint(k2, (N,), 0, B)).astype(jnp.int64)
    dataset_ids = jax.random.randint(k3, (B,), 0, E).astype(jnp.int64)
    W = jax.random.normal(k4, (E, D, O), dtype=jnp.float32) * 0.02
    b = jnp.zeros((E, O), dtype=jnp.float32)
    return {"x": x, "batch": batch, "dataset_ids": dataset_ids, "W": W, "b": b}


def reference(x, batch, dataset_ids, W, b):
    # mole_sizes: number of atoms per system via scatter-add (torch .scatter(0, batch, 1, reduce='add'))
    mole_sizes = jnp.zeros((B,), dtype=jnp.int32).at[batch].add(1)
    # expert_mixing_coefficients: one-hot per system by dataset id (torch .scatter(1, ds_idx, 1.0))
    mixing = jax.nn.one_hot(dataset_ids, E, dtype=x.dtype)  # [B, E]
    # gather per-atom mixing coefficients through the batch (system) index
    coeff = jnp.take(mixing, batch, axis=0)  # [N, E]
    # MOLE linear head: per-expert linear outputs, mixed by coefficients
    out_e = jnp.einsum('nd,edo->neo', x, W)                       # [N, E, O]
    head_out = jnp.sum(out_e * coeff[:, :, None], axis=1) + coeff @ b  # [N, O]
    # per-dataset masked outputs (zeros for atoms of other datasets), stacked over datasets
    atom_ds = jnp.take(dataset_ids, batch, axis=0)                # [N] atoms_mask via isin
    masks = atom_ds[None, :] == jnp.arange(E, dtype=atom_ds.dtype)[:, None]  # [E, N]
    full_output = jnp.where(masks[:, :, None], head_out[None, :, :], jnp.zeros_like(head_out)[None])  # [E, N, O]
    return full_output

if __name__ == "__main__":
    import jax
    _d = setup_inputs()
    print(jax.jit(kernel)(*tuple(_d.values())))

</pallas_src>

<mosaic_0001>
#map = affine_map<(d0, d1) -> (0)>
module attributes {stable_mosaic.version = 14 : i64} {
  func.func @sc_gather(%arg0: i32, %arg1: i32, %arg2: memref<102400xi32, #tpu.memory_space<hbm>>, %arg3: memref<1024xi32, #tpu.memory_space<hbm>>, %arg4: memref<102400xi32, #tpu.memory_space<hbm>>, %arg5: memref<1024xi32, #tpu.memory_space<vmem>>, %arg6: memref<6400xi32, #tpu.memory_space<vmem>>, %arg7: memref<6400xi32, #tpu.memory_space<vmem>>) attributes {dimension_semantics = [#tpu.dimension_semantics<core_parallel>, #tpu.dimension_semantics<subcore_parallel>], iteration_bounds = array<i64: 1, 16>, scalar_prefetch = 0 : i64, scratch_operands = 3 : i64, tpu.core_type = #tpu.core_type<sc_vector_subcore>, window_params = [{transform_indices = #map}, {transform_indices = #map}, {transform_indices = #map}]} {
    %mul3A = arith.constant 1 : i32
    %mul3A_0 = arith.muli %arg1, %mul3A : i32
    %add3A = arith.addi %mul3A_0, %arg0 : i32
    %mul3A_1 = arith.constant 6400 : i32
    %mul3A_2 = arith.muli %add3A, %mul3A_1 : i32
    "tpu.region"() ({
      %run_scoped3A = tpu.sem_alloc : memref<!tpu.dma_semaphore, #tpu.memory_space<semaphore_mem>>
      tpu.enqueue_dma source(%arg3 : memref<1024xi32, #tpu.memory_space<hbm>>) target(%arg5 : memref<1024xi32, #tpu.memory_space<vmem>>) target_semaphore(%run_scoped3A : memref<!tpu.dma_semaphore, #tpu.memory_space<semaphore_mem>>)
      tpu.wait_dma2 semaphore(%run_scoped3A : memref<!tpu.dma_semaphore, #tpu.memory_space<semaphore_mem>>) src(%arg3 : memref<1024xi32, #tpu.memory_space<hbm>>) dst(%arg5 : memref<1024xi32, #tpu.memory_space<vmem>>)
      tpu.yield
    }) : () -> ()
    "tpu.region"() ({
      %run_scoped3A = tpu.sem_alloc : memref<!tpu.dma_semaphore, #tpu.memory_space<semaphore_mem>>
      %dma_start3A = tpu.memref_slice %arg2[%mul3A_2] : memref<102400xi32, #tpu.memory_space<hbm>> -> memref<6400xi32, #tpu.memory_space<hbm>>
      %dma_start3A_8 = tpu.memref_slice %arg2[%mul3A_2] : memref<102400xi32, #tpu.memory_space<hbm>> -> memref<6400xi32, #tpu.memory_space<hbm>>
      tpu.enqueue_dma source(%dma_start3A_8 : memref<6400xi32, #tpu.memory_space<hbm>>) target(%arg6 : memref<6400xi32, #tpu.memory_space<vmem>>) target_semaphore(%run_scoped3A : memref<!tpu.dma_semaphore, #tpu.memory_space<semaphore_mem>>)
      %dma_wait3A = tpu.memref_slice %arg2[%mul3A_2] : memref<102400xi32, #tpu.memory_space<hbm>> -> memref<6400xi32, #tpu.memory_space<hbm>>
      %dma_wait3A_9 = tpu.memref_slice %arg2[%mul3A_2] : memref<102400xi32, #tpu.memory_space<hbm>> -> memref<6400xi32, #tpu.memory_space<hbm>>
      tpu.wait_dma2 semaphore(%run_scoped3A : memref<!tpu.dma_semaphore, #tpu.memory_space<semaphore_mem>>) src(%dma_wait3A_9 : memref<6400xi32, #tpu.memory_space<hbm>>) dst(%arg6 : memref<6400xi32, #tpu.memory_space<vmem>>)
      tpu.yield
    }) : () -> ()
    %scan3A = arith.constant 0 : i32
    %scan3A_3 = arith.constant 0 : i32
    %scan3A_4 = arith.constant 400 : i32
    %scan3A_5 = arith.addi %scan3A_3, %scan3A_4 : i32
    %scan3A_6 = arith.constant 1 : i32
    scf.for %scan3A_8 = %scan3A_3 to %scan3A_5 step %scan3A_6  : i32 {
      %mul3A_9 = arith.constant 16 : i32
      %mul3A_10 = arith.muli %scan3A_8, %mul3A_9 : i32
      %get3A = arith.index_cast %mul3A_10 : i32 to index
      %get3A_11 = tpu.vector_load %arg6[%get3A] {strides = array<i32>} : memref<6400xi32, #tpu.memory_space<vmem>>, vector<16xi32>,
      %gather3A = tpu.vector_load_idx %arg5[%get3A_11] : memref<1024xi32, #tpu.memory_space<vmem>>[vector<16xi32>], vector<16xi32>,
      %swap3A = arith.index_cast %mul3A_10 : i32 to index
      %swap3A_12 = tpu.vector_load %arg7[%swap3A] {strides = array<i32>} : memref<6400xi32, #tpu.memory_space<vmem>>, vector<16xi32>,
      tpu.vector_store %arg7[%swap3A], %gather3A {strides = array<i32>} : memref<6400xi32, #tpu.memory_space<vmem>>, vector<16xi32>,
    }
    %scan3A_7 = arith.constant 400 : i32
    "tpu.region"() ({
      %run_scoped3A = tpu.sem_alloc : memref<!tpu.dma_semaphore, #tpu.memory_space<semaphore_mem>>
      %dma_start3A = tpu.memref_slice %arg4[%mul3A_2] : memref<102400xi32, #tpu.memory_space<hbm>> -> memref<6400xi32, #tpu.memory_space<hbm>>
      %dma_start3A_8 = tpu.memref_slice %arg4[%mul3A_2] : memref<102400xi32, #tpu.memory_space<hbm>> -> memref<6400xi32, #tpu.memory_space<hbm>>
      tpu.enqueue_dma source(%arg7 : memref<6400xi32, #tpu.memory_space<vmem>>) target(%dma_start3A_8 : memref<6400xi32, #tpu.memory_space<hbm>>) target_semaphore(%run_scoped3A : memref<!tpu.dma_semaphore, #tpu.memory_space<semaphore_mem>>)
      %dma_wait3A = tpu.memref_slice %arg4[%mul3A_2] : memref<102400xi32, #tpu.memory_space<hbm>> -> memref<6400xi32, #tpu.memory_space<hbm>>
      %dma_wait3A_9 = tpu.memref_slice %arg4[%mul3A_2] : memref<102400xi32, #tpu.memory_space<hbm>> -> memref<6400xi32, #tpu.memory_space<hbm>>
      tpu.wait_dma2 semaphore(%run_scoped3A : memref<!tpu.dma_semaphore, #tpu.memory_space<semaphore_mem>>) src(%arg7 : memref<6400xi32, #tpu.memory_space<vmem>>) dst(%dma_wait3A_9 : memref<6400xi32, #tpu.memory_space<hbm>>)
      tpu.yield
    }) : () -> ()
    return
  }
}

module attributes {stable_mosaic.version = 14 : i64} {
  func.func @_tc_body(%arg0: i32, %arg1: memref<1x1x12800xi32, #tpu.memory_space<vmem>>, %arg2: memref<12800x128xf32, #tpu.memory_space<vmem>>, %arg3: memref<8x128xf32, #tpu.memory_space<vmem>>, %arg4: memref<8x1xf32, #tpu.memory_space<vmem>>, %arg5: memref<8x12800xf32, #tpu.memory_space<vmem>>) attributes {dimension_semantics = [#tpu.dimension_semantics<arbitrary>], iteration_bounds = array<i64: 8>, scalar_prefetch = 0 : i64, scratch_operands = 0 : i64, tpu.core_type = #tpu.core_type<tc>, window_params = [{transform_indices = @transform_0, window_bounds = array<i64: 1, 1, 12800>}, {transform_indices = @transform_1, window_bounds = array<i64: 12800, 128>}, {pipeline_mode = #tpu.pipeline_mode<synchronous>, transform_indices = @transform_2, window_bounds = array<i64: 8, 128>}, {pipeline_mode = #tpu.pipeline_mode<synchronous>, transform_indices = @transform_3, window_bounds = array<i64: 8, 1>}, {transform_indices = @transform_4, window_bounds = array<i64: 8, 12800>}]} {
    %get3A = arith.constant 0 : index
    %get3A_0 = arith.constant 0 : index
    %get3A_1 = vector.load %arg2[%get3A, %get3A_0] : memref<12800x128xf32, #tpu.memory_space<vmem>>, vector<12800x128xf32>
    %get3A_2 = arith.constant 0 : index
    %get3A_3 = arith.constant 0 : index
    %get3A_4 = vector.load %arg3[%get3A_2, %get3A_3] : memref<8x128xf32, #tpu.memory_space<vmem>>, vector<8x128xf32>
    %dot_general3A = arith.constant dense<0.000000e+00> : vector<8x12800xf32>
    %dot_general3A_5 = tpu.matmul %get3A_4, %get3A_1, %dot_general3A {dimension_numbers = #tpu.dot_dimension_numbers<[1], [1], [0], [0], [0, 0, 1, 0], [], []>, transpose_lhs_hint = false} : vector<8x128xf32>, vector<12800x128xf32>, vector<8x12800xf32> -> vector<8x12800xf32>
    %get3A_6 = arith.constant 0 : index
    %get3A_7 = arith.constant 0 : index
    %get3A_8 = arith.constant 0 : index
    %get3A_9 = vector.load %arg1[%get3A_6, %get3A_7, %get3A_8] : memref<1x1x12800xi32, #tpu.memory_space<vmem>>, vector<1x1x12800xi32>
    %get3A_10 = vector.shape_cast %get3A_9 : vector<1x1x12800xi32> to vector<1x12800xi32>
    %iota3A = tpu.iota {dimensions = array<i32: 0>} : vector<8x12800xi32>
    %eq3A = vector.broadcast %get3A_10 : vector<1x12800xi32> to vector<8x12800xi32>
    %eq3A_11 = arith.cmpi eq, %iota3A, %eq3A : vector<8x12800xi32>
    %get3A_12 = arith.constant 0 : index
    %get3A_13 = arith.constant 0 : index
    %get3A_14 = vector.load %arg4[%get3A_12, %get3A_13] : memref<8x1xf32, #tpu.memory_space<vmem>>, vector<8x1xf32>
    %add3A = vector.broadcast %get3A_14 : vector<8x1xf32> to vector<8x12800xf32>
    %add3A_15 = arith.addf %dot_general3A_5, %add3A : vector<8x12800xf32>
    %jit3A = arith.constant 0.000000e+00 : f32
    %broadcast_in_dim3A = vector.broadcast %jit3A : f32 to vector<8x12800xf32>
    %select_n3A = arith.select %eq3A_11, %add3A_15, %broadcast_in_dim3A : vector<8x12800xi1>, vector<8x12800xf32>
    %swap3A = arith.constant 0 : index
    %swap3A_16 = arith.constant 0 : index
    %swap3A_17 = vector.load %arg5[%swap3A, %swap3A_16] : memref<8x12800xf32, #tpu.memory_space<vmem>>, vector<8x12800xf32>
    tpu.vector_store %arg5[%swap3A, %swap3A_16], %select_n3A {strides = array<i32>} : memref<8x12800xf32, #tpu.memory_space<vmem>>, vector<8x12800xf32>,
    return
  }
  func.func @transform_0(%arg0: i32) -> (i32, i32, i32) {
    %c0_i32 = arith.constant 0 : i32
    %c0_i32_0 = arith.constant 0 : i32
    %c0_i32_1 = arith.constant 0 : i32
    return %arg0, %c0_i32, %c0_i32_0 : i32, i32, i32
  }
  func.func @transform_1(%arg0: i32) -> (i32, i32) {
    %c0_i32 = arith.constant 0 : i32
    %c0_i32_0 = arith.constant 0 : i32
    return %arg0, %c0_i32 : i32, i32
  }
  func.func @transform_2(%arg0: i32) -> (i32, i32) {
    %c0_i32 = arith.constant 0 : i32
    %c0_i32_0 = arith.constant 0 : i32
    %c0_i32_1 = arith.constant 0 : i32
    return %c0_i32, %c0_i32_0 : i32, i32
  }
  func.func @transform_3(%arg0: i32) -> (i32, i32) {
    %c0_i32 = arith.constant 0 : i32
    %c0_i32_0 = arith.constant 0 : i32
    %c0_i32_1 = arith.constant 0 : i32
    return %c0_i32, %c0_i32_0 : i32, i32
  }
  func.func @transform_4(%arg0: i32) -> (i32, i32) {
    %c0_i32 = arith.constant 0 : i32
    %c0_i32_0 = arith.constant 0 : i32
    return %c0_i32, %arg0 : i32, i32
  }
}

</mosaic_0001>

<sc_bundles>
// kernel: kernel.4.cloned.1.call-start
scs
__scs_entry_jumppad:
0x0: {  	(pc) =	sbr.rel $0x88, $3  }
0x1: {  	(tag) =	ssettag $0x0;
	lr =	simm.s32 $0x1  }
0x2: {  	[smem:$0x3F9C] =	sst lr;
	_ =	strace $0xD0000000  }
0x3: {  	_ = 	snop  }
0x4: {  	_ = 	snop  }
0x5: {  	_ = 	snop  }
0x6: {  	_ = 	snop  }
0x7: {  	_ = 	snop  }
__scs_overlays_trampoline_lowered:
0x8: {  	[smem:$0x3FAB] =	sst s0  }
0x9: {  	[smem:$0x3FAC] =	sst s1  }
0xa: {  	[smem:$0x3FAD] =	sst s2  }
0xb: {  	[smem:$0x3FAE] =	sst s3  }
0xc: {  	[smem:$0x3FAF] =	sst s4  }
0xd: {  	[smem:$0x3FB0] =	sst s5  }
0xe: {  	[smem:$0x3FB1] =	sst s6  }
0xf: {  	[smem:$0x3FB2] =	sst s7  }
0x10: {  	[smem:$0x3FB3] =	sst s8  }
0x11: {  	[smem:$0x3FB4] =	sst s9;
	s0 =	simm.s32 @!p0 $0x0  }
0x12: {  	s1 =	sld [smem:$0x3F9A];
	s0 =	simm.s32 @p0 $0x1  }
0x13: {  	[smem:$0x3FB5] =	sst s0;
	s0 =	simm.s32 @!p1 $0x0  }
0x14: {  	s2 =	sld [smem:$0x3F99];
	s0 =	simm.s32 @p1 $0x1  }
0x15: {  	[smem:$0x3FB6] =	sst s0;
	s0 =	simm.s32 @!p2 $0x0  }
0x16: {  	s3 =	sld [smem:$0x3FDB];
	s0 =	simm.s32 @p2 $0x1  }
0x17: {  	s4 =	simm.s32 $0x1BF5;
	[smem:$0x3FB8] =	sst s0  }
0x18: {  	s0 =	sld [smem:$0x3F9B];
	_ =	swait.ge [sflag:s4], $0x0  }
0x19: {  	s7 =	sld [smem:$0x3F9C]  }
0x1a: {  	s8 =	sadd.s32 $0xFFFFE003, lr  }
0x1b: {  	s9 =	sadd.s32 $0xFFFFFEF7, lr;
	s5 =	simm.s32 $0xFFFFFFFF;
	p2 =	slt.u32 s8, $0xFFFFF086  }
0x1c: {  	p1 =	slt.u32 s9, $0xF7A;
	s5 =	simm.s32 @!p2 $0x0  }
0x1d: {  	s5 =	simm.s32 @p1 $0x1;
	p0 =	seq.s32 s7, s2  }
0x1e: {  	s7 =	smul.u32 @!p0 $0xF7A, s2;
	p2 =	seq.s32 @!p0 s5, $0x0  }
0x1f: {  	s9 =	smul.u32 $0xF7A, s1;
	s8 =	simm.s32 @!p0 $0x1BF5;
	p2 =	por !p2, p0  }
0x20: {  	[sflag:s8] =	ssyncset.s32 @!p0 $0xFFFFF086;
	s6 =	sadd.s32 @!p0 s3, s7;
	s7 =	simm.s32 @!p0 $0x108  }
0x21: {  	s3 =	sadd.s32 s3, s9;
	s6 =	sadd.s32 @!p0 $0x88, s6;
	s7 =	simm.s32 @p2 $0x1082  }
0x22: {  	[simem:s7], [sflag:s8] =	dma.local @!p0 [hbm:s6], $0xF7A  }
0x23: {  	s9 =	sor.u32 $0xD0000000, s2;
	s6 =	simm.s32 $0x108;
	_ =	swait.ge @!p0 [sflag:s8], $0x0  }
0x24: {  	s3 =	sadd.s32 $0x88, s3;
	s6 =	simm.s32 @!p1 $0x1082;
	[sflag:s4] =	ssyncset.s32 $0xFFFFF086  }
0x25: {  	[simem:s6], [sflag:s4] =	dma.local [hbm:s3], $0xF7A  }
0x26: {  	[smem:$0x3F9C] =	sst s1;
	(tag) =	ssettag s2;
	_ =	strace s9  }
0x27: {  	s1 =	sld [smem:$0x3FAC]  }
0x28: {  	s2 =	sld [smem:$0x3FAD]  }
0x29: {  	s4 =	sld [smem:$0x3FAF]  }
0x2a: {  	p0 =	seq.s32 s5, $0x0;
	s5 =	sld [smem:$0x3FB0]  }
0x2b: {  	s6 =	sld [smem:$0x3FB1]  }
0x2c: {  	s7 =	sld [smem:$0x3FB2]  }
0x2d: {  	s3 =	simm.s32 $0x108;
	s8 =	sld [smem:$0x3FB3]  }
0x2e: {  	s3 =	simm.s32 @!p0 $0x1082;
	s9 =	sld [smem:$0x3FB4]  }
0x2f: {  	lr =	sadd.s32 s0, s3;
	s0 =	sld [smem:$0x3FAB]  }
0x30: {  	s3 =	sld [smem:$0x3FAE]  }
0x31: {  	[smem:$0x3FB7] =	sst s10  }
0x32: {  	s10 =	sld [smem:$0x3FB5];
	_ =	sdelay $0x3  }
0x33: {  	p0 =	seq.s32 s10, $0x1;
	s10 =	sld [smem:$0x3FB7];
	_ =	sdelay $0x3  }
0x34: {  	[smem:$0x3FB7] =	sst s10  }
0x35: {  	s10 =	sld [smem:$0x3FB6];
	_ =	sdelay $0x3  }
0x36: {  	p1 =	seq.s32 s10, $0x1;
	s10 =	sld [smem:$0x3FB7];
	_ =	sdelay $0x3  }
0x37: {  	[smem:$0x3FB7] =	sst s10  }
0x38: {  	s10 =	sld [smem:$0x3FB8]  }
0x39: {  	_ = 	snop;
	(pc) =	sbr.ind lr, $3  }
0x3a: {  	_ = 	snop  }
0x3b: {  	_ = 	snop  }
0x3c: {  	p2 =	seq.s32 s10, $0x1;
	s10 =	sld [smem:$0x3FB7]  }
0x3d: {  	_ =	shalt  }
0x3e: {  	_ =	shalt  }
0x3f: {  	_ =	shalt  }
0x40: {  	_ =	shalt  }
0x41: {  	_ =	shalt  }
0x42: {  	_ =	shalt  }
0x43: {  	_ =	shalt  }
0x44: {  	_ =	shalt  }
0x45: {  	_ =	shalt  }
0x46: {  	_ =	shalt  }
0x47: {  	_ =	shalt  }
0x48: {  	_ =	shalt  }
0x49: {  	_ =	shalt  }
0x4a: {  	_ =	shalt  }
0x4b: {  	_ =	shalt  }
0x4c: {  	_ =	shalt  }
0x4d: {  	_ =	shalt  }
0x4e: {  	_ =	shalt  }
0x4f: {  	_ =	shalt  }
0x50: {  	_ =	shalt  }
0x51: {  	_ =	shalt  }
0x52: {  	_ =	shalt  }
0x53: {  	_ =	shalt  }
0x54: {  	_ =	shalt  }
0x55: {  	_ =	shalt  }
0x56: {  	_ =	shalt  }
0x57: {  	_ =	shalt  }
0x58: {  	_ =	shalt  }
0x59: {  	_ =	shalt  }
0x5a: {  	_ =	shalt  }
0x5b: {  	_ =	shalt  }
0x5c: {  	_ =	shalt  }
0x5d: {  	_ =	shalt  }
0x5e: {  	_ =	shalt  }
0x5f: {  	_ =	shalt  }
0x60: {  	_ =	shalt  }
0x61: {  	_ =	shalt  }
0x62: {  	_ =	shalt  }
0x63: {  	_ =	shalt  }
0x64: {  	_ =	shalt  }
0x65: {  	_ =	shalt  }
0x66: {  	_ =	shalt  }
0x67: {  	_ =	shalt  }
0x68: {  	_ =	shalt  }
0x69: {  	_ =	shalt  }
0x6a: {  	_ =	shalt  }
0x6b: {  	_ =	shalt  }
0x6c: {  	_ =	shalt  }
0x6d: {  	_ =	shalt  }
0x6e: {  	_ =	shalt  }
0x6f: {  	_ =	shalt  }
0x70: {  	_ =	shalt  }
0x71: {  	_ =	shalt  }
0x72: {  	_ =	shalt  }
0x73: {  	_ =	shalt  }
0x74: {  	_ =	shalt  }
0x75: {  	_ =	shalt  }
0x76: {  	_ =	shalt  }
0x77: {  	_ =	shalt  }
0x78: {  	_ =	shalt  }
0x79: {  	_ =	shalt  }
0x7a: {  	_ =	shalt  }
0x7b: {  	_ =	shalt  }
0x7c: {  	_ =	shalt  }
0x7d: {  	_ =	shalt  }
0x7e: {  	_ =	shalt  }
0x7f: {  	_ =	shalt  }
0x80: {  	_ =	shalt  }
0x81: {  	_ =	shalt  }
0x82: {  	_ =	shalt  }
0x83: {  	_ =	shalt  }
0x84: {  	_ =	shalt  }
0x85: {  	_ =	shalt  }
0x86: {  	_ =	shalt  }
0x87: {  	_ =	shalt  }
.Lfunc_end0:
.L_simem_size_0:
called_computation_lowered:
.L_overlay_start_0:
0x88: {  	s0 =	sld [smem:$0x3FD9]  }
0x89: {  	s1 =	sld [smem:$0x3FFE];
	_ =	sdelay $0x3  }
0x8a: {  	s0 =	sadd.s32 s1, s0  }
0x8b: {  	[smem:$0x3FC3] =	sst s0  }
0x8c: {  	_ = 	snop  }
0x8d: {  	s0 =	sld [smem:$0x3FC7]  }
0x8e: {  	s16 =	sld [smem:$0x3FD0];
	(tm) =	ssettm $0x1  }
0x8f: {  	s2 =	sld [smem:$0x3FFB];
	_ =	sdelay $0x3  }
0x90: {  	_ =	strace s2  }
0x91: {  	s2 =	sld [smem:$0x3FFC];
	_ =	sdelay $0x3  }
0x92: {  	_ =	strace s2  }
0x93: {  	s2 =	sld [smem:$0x3FFD];
	_ =	sdelay $0x3  }
0x94: {  	_ =	strace s2  }
0x95: {  	_ =	strace $0x8FFFFFFF  }
0x96: {  	s17 =	sld [smem:$0x3FDB];
	_ =	sdelay $0x1  }
0x97: {  	s3 =	simm.s32 $_scs_section_size  }
0x98: {  	s4 =	simm.s32 $_size__tile_overlayer_lowered;
	s5 =	simm.s32 $_tile_overlayer_lowered  }
0x99: {  	s20 =	simm.s32 $0x1BFF;
	s19 =	sshll.u32 s5, $0x1;
	s2 =	sadd.s32 s3, s17  }
0x9a: {  	s6 =	simm.s32 $0x0;
	s18 =	sshll.u32 s4, $0x1;
	s4 =	sadd.s32 s19, s2  }
0x9b: {  	[timem:s6], [sflag:s20] =	dma.local [hbm:s4], s18  }
0x9c: {  	_ =	swait.ge [sflag:s20], s18  }
0x9d: {  	s3 =	ssub.s32 $0x0, s18;
	[sflag:s20] =	ssyncset.done $0x0  }
0x9e: {  	[sflag:s20] =	ssyncadd.s32 s3;
	_ =	sdelay $0x1  }
0x9f: {  	s21 =	simm.s32 $0x1B8B  }
0xa0: {  	_ =	swait.ge [sflag:s21], $0x1  }
0xa1: {  	[sflag:s21] =	ssyncset.done $0x0  }
0xa2: {  	s23 =	simm.s32 $0x1B8E;
	s22 =	sld [smem:$0x3FFE];
	[sflag:s21] =	ssyncadd.s32 $0xFFFFFFFF  }
0xa3: {  	s24 =	simm.s32 $execute0_lowered;
	[smem:$0x3FD2] =	sst s23  }
0xa4: {  	s4 =	sshll.u32 s24, $0x1;
	_ =	strace $0x80000046;
	[dreg:$0x1] =	wrdreg $0xFFFFFFFF  }
0xa5: {  	s25 =	simm.s32 $_size_execute0_lowered;
	s2 =	sadd.s32 s2, s4;
	[dreg:$0x0] =	wrdreg $0x0  }
0xa6: {  	s4 =	sshll.u32 s25, $0x1;
	[dreg:$0x2] =	wrdreg s2  }
0xa7: {  	[dreg:$0x3] =	wrdreg s4  }
0xa8: {  	[dreg:$0x4] =	wrdreg $0xC0  }
0xa9: {  	_ =	task [dreg:s6], $0x5FFFF  }
0xaa: {  	[dreg:$0x1] =	wrdreg $0xFFFFFFFF  }
0xab: {  	[dreg:$0x0] =	wrdreg $0x60  }
0xac: {  	[dreg:$0x2] =	wrdreg s16  }
0xad: {  	[dreg:$0x3] =	wrdreg s0  }
0xae: {  	[dreg:$0x4] =	wrdreg s22  }
0xaf: {  	[dreg:$0x5] =	wrdreg $0x9  }
0xb0: {  	_ =	task.clear_ibuf [dreg:s6], $0x6FFFF;
	_ =	strace $0x90000046  }
0xb1: {  	s26 =	simm.s32 $0x9;
	_ =	strace $0x80000048  }
0xb2: {  	_ =	swait.ge [sflag:s26], $0x1  }
0xb3: {  	[sflag:s26] =	ssyncadd.s32 $0xFFFFFFFF  }
0xb4: {  	_ =	strace $0x90000048  }
0xb5: {  	_ =	sfence  }
0xb6: {  	s28 =	sld [smem:$0x0];
	_ =	sdelay $0x1  }
0xb7: {  	s29 =	srdreg.scid  }
0xb8: {  	s30 =	sshll.u32 s29, $0xD;
	s31 =	sshrl.u32 s29, $0x2  }
0xb9: {  	s1 =	sand.u32 $0x1, s29;
	s2 =	sand.u32 $0x4000, s30;
	s0 =	sadd.s32 s31, s28  }
0xba: {  	s1 =	sor.u32 s2, s1;
	s0 =	sshll.u32 s0, $0x11  }
0xbb: {  	s0 =	sor.u32 s0, s1  }
0xbc: {  	s0 =	sadd.s32 $0x8F2B, s0  }
0xbd: {  	[sflag:s0] =	ssyncadd.remote.s32 $0x1  }
0xbe: {  	_ =	sfence.sel $0xFFFF  }
0xbf: {  	[dreg:$0x0] =	wrdreg $0xFFFFFFFF;
	(pc) =	sbr.abs _section_cstart, $3  }
0xc0: {  	[dreg:$0x1] =	wrdreg $0xFFFFFFFF  }
0xc1: {  	_ =	task.clear_ibuf [dreg:s6], $0x2FFFF;
	_ =	strace $0x9FFFFFFF  }
0xc2: {  	(tm) =	ssettm $0x7FFFFFFF  }
0xc3: {  	_ =	shalt  }
tec
execute0_lowered:
.L_overlay_start_1:
0x0: {  	(tag) =	ssettag $0x1  }
0x1: {  	s4 =	rddreg [dreg:$0x0]  }
0x2: {  	s1 =	rddreg [dreg:$0x1]  }
0x3: {  	s6 =	rddreg [dreg:$0x2];
	s2 =	simm.s32 $0x0  }
0x4: {  	[smem:$0x7FF] =	sst s2  }
0x5: {  	s0 =	rddreg [dreg:$0x3];
	_ =	strace $0x80000047  }
0x6: {  	[tilespmem:s2], [sflag:$0x1] =	stream.linear.gather [hbm4b:s1+s2], $0x400, $0x38;
	[tilespmem:$0x3600] =	vst v63  }
0x7: {  	s5 =	simm.s32 $0x1;
	s1 =	stileid.u32  }
0x8: {  	s3 =	smul.u32 $0x320, s1;
	_ =	swait.ge [sflag:s5], $0x400  }
0x9: {  	[sflag:s5] =	ssyncset.done $0x0  }
0xa: {  	s7 =	simm.s32 $0x400;
	s4 =	sadd.s32 s4, s3;
	[sflag:s5] =	ssyncadd.s32 $0xFFFFFC00  }
0xb: {  	[tilespmem:s7], [sflag:$0x1] =	stream.linear.gather [hbm4b:s4+s2], $0x1900, $0x38;
	[tilespmem:$0x3600] =	vst v63  }
0xc: {  	_ =	swait.ge [sflag:s5], $0x1900  }
0xd: {  	[sflag:s5] =	ssyncset.done $0x0  }
0xe: {  	[sflag:s5] =	ssyncadd.s32 $0xFFFFE700;
	s5 =	simm.s32 $0x0  }
0xf: {  	v0 =	vld [tilespmem:s5+$0x400];
	_ =	sdelay $0x7  }
0x10: {  	s4 =	sadd.s32 $0xA00, s6;
	s6 =	simm.s32 $0x10;
	s7 =	simm.s32 $0x80;
	v0 =	vld.idx.msk [tilespmem:v0+s2+$0x0], $0xffff  }
.LBB2_1:
0x11: {  	p0 =	sne.s32 s7, $0x63C0;
	v1 =	vld [tilespmem:s6+$0x400];
	_ =	sdelay $0x3  }
.Ltmp0:
0x12: {  	(pc) =	sbr.rel @p0 .LBB2_1-.Ltmp0, $2  }
0x13: {  	[tilespmem:s5+$0x1D00] =	vst v0;
	s5 =	smov.u32 s6;
	_ =	sdelay $0x2  }
0x14: {  	s6 =	sshra.s32 s7, $0x2;
	s7 =	sadd.s32 $0x40, s7;
	v0 =	vld.idx.msk [tilespmem:v1+s2+$0x0], $0xffff  }
0x15: {  	v1 =	vld [tilespmem:s6+$0x400];
	_ =	sdelay $0x6  }
0x16: {  	[tilespmem:s5+$0x1D00] =	vst v0  }
0x17: {  	v0 =	vld.idx.msk [tilespmem:v1+s2+$0x0], $0xffff;
	_ =	sdelay $0x3  }
0x18: {  	s28 =	sadd.s32 s4, s3  }
0x19: {  	s29 =	simm.s32 $0x0;
	s30 =	simm.s32 $0x1D00;
	s31 =	simm.s32 $0x1;
	[tilespmem:s6+$0x1D00] =	vst v0  }
0x1a: {  	[hbm4b:s28+s29] =	stream.linear.scatter [tilespmem:s30], [sflag:$0x1], $0x1900, $0x38;
	[tilespmem:$0x3600] =	vst v63  }
0x1b: {  	_ =	swait.ge [sflag:s31], $0x1900  }
0x1c: {  	[sflag:s31] =	ssyncset.done $0x0  }
0x1d: {  	[sflag:s31] =	ssyncadd.s32 $0xFFFFE700  }
0x1e: {  	_ =	sfence.sel $0x180000  }
0x1f: {  	[bflag:$0x0] =	sbarrier.arrive $0xFFFF  }
0x20: {  	p0 =	sne.s32 s1, $0x0;
	_ =	strace $0x90000047  }
0x21: {  	s0 =	sadd.s32 @!p0 $0x100000, s0;
	[bflag:$0x2] =	sbarrier.arrive $0xFFFF  }
0x22: {  	[sflag:s0] =	ssyncadd.tile.s32 @!p0 $0x1;
	_ =	shalt  }
.Lfunc_end2:
_tile_overlayer_lowered:
.L_overlay_start_2:
0x23: {  	(tag) =	ssettag $0x2  }
0x24: {  	s0 =	rddreg [dreg:$0x0];
	s2 =	stileid.u32  }
0x25: {  	s1 =	rddreg [dreg:$0x1];
	p0 =	sne.s32 s2, $0x0  }
0x26: {  	s3 =	rddreg [dreg:$0x2];
	[bflag:$0x3] =	sbarrier.arrive $0xFFFF;
	s2 =	simm.s32 @!p0 $0x1C01  }
0x27: {  	[timem:s3], [sflag:s2] =	dma.local @!p0 [hbm:s0], s1  }
0x28: {  	s0 =	simm.s32 @!p0 $0x1  }
0x29: {  	_ =	swait.ge @!p0 [sflag:s0], s1  }
0x2a: {  	s1 =	ssub.s32 @!p0 $0x0, s1;
	[sflag:s0] =	ssyncset.done @!p0 $0x0  }
0x2b: {  	[sflag:s0] =	ssyncadd.s32 @!p0 s1  }
0x2c: {  	[bflag:$0x3] =	sbarrier.arrive $0xFFFF  }
0x2d: {  	_ =	shalt  }

</sc_bundles>
